<compile_context>
chip_gen: v7x
topology: tpu7x:2x2x1
jax: 0.10.2.dev20260603
libtpu: 0.0.44.dev20260713+nightly
codegen_flags: <defaults>
</compile_context>

<pallas_src>
import jax
import jax.numpy as jnp
from jax import lax
from jax.experimental import pallas as pl
from jax.experimental.pallas import tpu as pltpu
from jax.experimental.pallas import tpu_sc as plsc

F = 26
V = 100000
D = 32
B = 16384
NC, NS, L = 2, 16, 16
NW = NC * NS
ROWS = F * D
RPW = ROWS // NW
PC = 2048
NP = B // PC


def _body(tt2, idxt, out2, row_v, ibig, obuf, rsem, isem, *osem):
    w = lax.axis_index("s") * NC + lax.axis_index("c")

    def do_row(u, _):
        ft = w * RPW + u
        f = lax.div(ft, D)

        pltpu.async_copy(tt2.at[ft], row_v, rsem)

        @pl.when(jnp.logical_or(u == 0, lax.rem(ft, D) == 0))
        def _():
            pltpu.async_copy(idxt.at[f], ibig, isem)
            pltpu.make_async_copy(idxt.at[f], ibig, isem).wait()

        pltpu.make_async_copy(tt2.at[ft], row_v, rsem).wait()

        def do_pair(p2, _):
            for pb in range(2):
                p = p2 * 2 + pb

                @pl.when(jnp.logical_or(p2 >= 1, u > 0))
                def _():
                    pltpu.make_async_copy(
                        obuf.at[pb], out2.at[ft, pl.ds(p * PC, PC)], osem[pb]
                    ).wait()

                @plsc.parallel_loop(0, PC, step=L, unroll=16)
                def _(o):
                    obuf[pb, pl.ds(o, L)] = plsc.load_gather(
                        row_v, [ibig[pl.ds(p * PC + o, L)]]
                    )
                pltpu.async_copy(
                    obuf.at[pb], out2.at[ft, pl.ds(p * PC, PC)], osem[pb]
                )
            return 0

        lax.fori_loop(0, NP // 2, do_pair, 0)
        return 0

    lax.fori_loop(0, RPW, do_row, 0)

    ftl = w * RPW + RPW - 1
    for pb in range(2):
        pltpu.make_async_copy(
            obuf.at[pb], out2.at[ftl, pl.ds(pb * PC, PC)], osem[pb]
        ).wait()


@jax.jit
def kernel(sparse_inputs, tables):
    tt2 = tables.transpose(0, 2, 1).reshape(ROWS, V)
    idxt = sparse_inputs.T

    mesh = plsc.VectorSubcoreMesh(
        core_axis_name="c", subcore_axis_name="s", num_cores=NC, num_subcores=NS
    )
    out2 = pl.kernel(
        _body,
        out_type=jax.ShapeDtypeStruct((ROWS, B), jnp.float32),
        mesh=mesh,
        compiler_params=pltpu.CompilerParams(
            use_tc_tiling_on_sc=True,
            needs_layout_passes=False,
            disable_bounds_checks=True,
        ),
        scratch_types=(
            [
                pltpu.VMEM((V,), jnp.float32),
                pltpu.VMEM((B,), jnp.int32),
                pltpu.VMEM((2, PC), jnp.float32),
                pltpu.SemaphoreType.DMA,
                pltpu.SemaphoreType.DMA,
            ]
            + [pltpu.SemaphoreType.DMA] * 2
        ),
    )(tt2, idxt)
    return out2.reshape(F, D, B).transpose(2, 0, 1)

# --- scband reference (transcript-rebuilt; emitter-appended) ---
"""Pipeline reference for scband-sparse-embedding-43593918054767 (READ-ONLY COPY).

The authoritative reference and input builder live on the scoring server;
editing this copy changes nothing except your own understanding.
"""

import jax, jax.numpy as jnp
import numpy as np

NUM_FIELDS = 26
VOCAB = 100000
DIM = 32
BATCH = 16384

def setup_inputs(seed: int = 0) -> dict:
    key = jax.random.key(seed)
    k_idx, k_tab = jax.random.split(key)
    sparse_inputs = jax.random.randint(k_idx, (BATCH, NUM_FIELDS), 0, VOCAB, dtype=jnp.int32)
    # one embedding table per sparse field, stacked: [NUM_FIELDS, VOCAB, DIM]
    tables = jax.random.normal(k_tab, (NUM_FIELDS, VOCAB, DIM), dtype=jnp.float32)
    return {"sparse_inputs": sparse_inputs, "tables": tables}

def reference(sparse_inputs, tables):
    # Faithful translation: per-field embedding lookup, then stack along dim=1.
    outs = []
    for i in range(NUM_FIELDS):
        outs.append(jnp.take(tables[i], sparse_inputs[:, i], axis=0))
    return jnp.stack(outs, axis=1)  # [BATCH, NUM_FIELDS, DIM]

if __name__ == "__main__":
    import jax
    _d = setup_inputs()
    print(jax.jit(kernel)(*tuple(_d.values())))

</pallas_src>

<mosaic_0001>
#map = affine_map<(d0, d1) -> (0, 0)>
module attributes {stable_mosaic.version = 14 : i64} {
  func.func @_body(%arg0: i32, %arg1: i32, %arg2: memref<832x100000xf32, #tpu.memory_space<hbm>>, %arg3: memref<26x16384xi32, #tpu.memory_space<hbm>>, %arg4: memref<832x16384xf32, #tpu.memory_space<hbm>>, %arg5: memref<100000xf32, #tpu.memory_space<vmem>>, %arg6: memref<16384xi32, #tpu.memory_space<vmem>>, %arg7: memref<2x2048xf32, #tpu.memory_space<vmem>>, %arg8: memref<!tpu.dma_semaphore, #tpu.memory_space<semaphore_mem>>, %arg9: memref<!tpu.dma_semaphore, #tpu.memory_space<semaphore_mem>>, %arg10: memref<!tpu.dma_semaphore, #tpu.memory_space<semaphore_mem>>, %arg11: memref<!tpu.dma_semaphore, #tpu.memory_space<semaphore_mem>>) attributes {dimension_semantics = [#tpu.dimension_semantics<core_parallel>, #tpu.dimension_semantics<subcore_parallel>], iteration_bounds = array<i64: 2, 16>, scalar_prefetch = 0 : i64, scratch_operands = 7 : i64, tpu.core_type = #tpu.core_type<sc_vector_subcore>, window_params = [{transform_indices = #map}, {transform_indices = #map}, {transform_indices = #map}]} {
    %mul3A = arith.constant 2 : i32
    %mul3A_0 = arith.muli %arg1, %mul3A : i32
    %add3A = arith.addi %mul3A_0, %arg0 : i32
    %scan3A = arith.constant 0 : i32
    %scan3A_1 = arith.constant 0 : i32
    %scan3A_2 = arith.constant 26 : i32
    %scan3A_3 = arith.addi %scan3A_1, %scan3A_2 : i32
    %scan3A_4 = arith.constant 1 : i32
    %scan3A_5 = scf.for %scan3A_37 = %scan3A_1 to %scan3A_3 step %scan3A_4 iter_args(%scan3A_38 = %scan3A) -> (i32)  : i32 {
      %mul3A_39 = arith.constant 26 : i32
      %mul3A_40 = arith.muli %add3A, %mul3A_39 : i32
      %add3A_41 = arith.addi %mul3A_40, %scan3A_37 : i32
      %div3A = arith.constant 32 : i32
      %div3A_42 = arith.divsi %add3A_41, %div3A : i32
      %dma_start3A = arith.constant 0 : i32
      %dma_start3A_43 = tpu.memref_slice %arg2[%add3A_41, %dma_start3A] : memref<832x100000xf32, #tpu.memory_space<hbm>> -> memref<1x100000xf32, #tpu.memory_space<hbm>>
      %dma_start3A_44 = tpu.memref_squeeze %dma_start3A_43 : memref<1x100000xf32, #tpu.memory_space<hbm>> -> memref<100000xf32, #tpu.memory_space<hbm>>
      %dma_start3A_45 = arith.constant 0 : i32
      %dma_start3A_46 = tpu.memref_slice %arg2[%add3A_41, %dma_start3A_45] : memref<832x100000xf32, #tpu.memory_space<hbm>> -> memref<1x100000xf32, #tpu.memory_space<hbm>>
      %dma_start3A_47 = tpu.memref_squeeze %dma_start3A_46 : memref<1x100000xf32, #tpu.memory_space<hbm>> -> memref<100000xf32, #tpu.memory_space<hbm>>
      tpu.enqueue_dma source(%dma_start3A_47 : memref<100000xf32, #tpu.memory_space<hbm>>) target(%arg5 : memref<100000xf32, #tpu.memory_space<vmem>>) target_semaphore(%arg8 : memref<!tpu.dma_semaphore, #tpu.memory_space<semaphore_mem>>)
      %eq3A = arith.constant 0 : i32
      %eq3A_48 = arith.cmpi eq, %scan3A_37, %eq3A : i32
      %rem3A = arith.constant 32 : i32
      %rem3A_49 = arith.remsi %add3A_41, %rem3A : i32
      %eq3A_50 = arith.constant 0 : i32
      %eq3A_51 = arith.cmpi eq, %rem3A_49, %eq3A_50 : i32
      %or3A = arith.ori %eq3A_48, %eq3A_51 : i1
      %convert_element_type3A = arith.extui %or3A : i1 to i32
      %cond3A = arith.constant 0 : i32
      %cond3A_52 = arith.cmpi ne, %convert_element_type3A, %cond3A : i32
      scf.if %cond3A_52 {
        %dma_start3A_67 = arith.constant 0 : i32
        %dma_start3A_68 = tpu.memref_slice %arg3[%div3A_42, %dma_start3A_67] : memref<26x16384xi32, #tpu.memory_space<hbm>> -> memref<1x16384xi32, #tpu.memory_space<hbm>>
        %dma_start3A_69 = tpu.memref_squeeze %dma_start3A_68 : memref<1x16384xi32, #tpu.memory_space<hbm>> -> memref<16384xi32, #tpu.memory_space<hbm>>
        %dma_start3A_70 = arith.constant 0 : i32
        %dma_start3A_71 = tpu.memref_slice %arg3[%div3A_42, %dma_start3A_70] : memref<26x16384xi32, #tpu.memory_space<hbm>> -> memref<1x16384xi32, #tpu.memory_space<hbm>>
        %dma_start3A_72 = tpu.memref_squeeze %dma_start3A_71 : memref<1x16384xi32, #tpu.memory_space<hbm>> -> memref<16384xi32, #tpu.memory_space<hbm>>
        tpu.enqueue_dma source(%dma_start3A_72 : memref<16384xi32, #tpu.memory_space<hbm>>) target(%arg6 : memref<16384xi32, #tpu.memory_space<vmem>>) target_semaphore(%arg9 : memref<!tpu.dma_semaphore, #tpu.memory_space<semaphore_mem>>)
        %dma_wait3A_73 = arith.constant 0 : i32
        %dma_wait3A_74 = tpu.memref_slice %arg3[%div3A_42, %dma_wait3A_73] : memref<26x16384xi32, #tpu.memory_space<hbm>> -> memref<1x16384xi32, #tpu.memory_space<hbm>>
        %dma_wait3A_75 = tpu.memref_squeeze %dma_wait3A_74 : memref<1x16384xi32, #tpu.memory_space<hbm>> -> memref<16384xi32, #tpu.memory_space<hbm>>
        %dma_wait3A_76 = arith.constant 0 : i32
        %dma_wait3A_77 = tpu.memref_slice %arg3[%div3A_42, %dma_wait3A_76] : memref<26x16384xi32, #tpu.memory_space<hbm>> -> memref<1x16384xi32, #tpu.memory_space<hbm>>
        %dma_wait3A_78 = tpu.memref_squeeze %dma_wait3A_77 : memref<1x16384xi32, #tpu.memory_space<hbm>> -> memref<16384xi32, #tpu.memory_space<hbm>>
        tpu.wait_dma2 semaphore(%arg9 : memref<!tpu.dma_semaphore, #tpu.memory_space<semaphore_mem>>) src(%dma_wait3A_78 : memref<16384xi32, #tpu.memory_space<hbm>>) dst(%arg6 : memref<16384xi32, #tpu.memory_space<vmem>>)
      } else {
      }
      %dma_wait3A_53 = arith.constant 0 : i32
      %dma_wait3A_54 = tpu.memref_slice %arg2[%add3A_41, %dma_wait3A_53] : memref<832x100000xf32, #tpu.memory_space<hbm>> -> memref<1x100000xf32, #tpu.memory_space<hbm>>
      %dma_wait3A_55 = tpu.memref_squeeze %dma_wait3A_54 : memref<1x100000xf32, #tpu.memory_space<hbm>> -> memref<100000xf32, #tpu.memory_space<hbm>>
      %dma_wait3A_56 = arith.constant 0 : i32
      %dma_wait3A_57 = tpu.memref_slice %arg2[%add3A_41, %dma_wait3A_56] : memref<832x100000xf32, #tpu.memory_space<hbm>> -> memref<1x100000xf32, #tpu.memory_space<hbm>>
      %dma_wait3A_58 = tpu.memref_squeeze %dma_wait3A_57 : memref<1x100000xf32, #tpu.memory_space<hbm>> -> memref<100000xf32, #tpu.memory_space<hbm>>
      tpu.wait_dma2 semaphore(%arg8 : memref<!tpu.dma_semaphore, #tpu.memory_space<semaphore_mem>>) src(%dma_wait3A_58 : memref<100000xf32, #tpu.memory_space<hbm>>) dst(%arg5 : memref<100000xf32, #tpu.memory_space<vmem>>)
      %scan3A_59 = arith.constant 0 : i32
      %scan3A_60 = arith.constant 0 : i32
      %scan3A_61 = arith.constant 4 : i32
      %scan3A_62 = arith.addi %scan3A_60, %scan3A_61 : i32
      %scan3A_63 = arith.constant 1 : i32
      %scan3A_64 = scf.for %scan3A_67 = %scan3A_60 to %scan3A_62 step %scan3A_63 iter_args(%scan3A_68 = %scan3A_59) -> (i32)  : i32 {
        %mul3A_69 = arith.constant 2 : i32
        %mul3A_70 = arith.muli %scan3A_67, %mul3A_69 : i32
        %add3A_71 = arith.constant 0 : i32
        %add3A_72 = arith.addi %mul3A_70, %add3A_71 : i32
        %ge3A = arith.constant 1 : i32
        %ge3A_73 = arith.cmpi sge, %scan3A_67, %ge3A : i32
        %gt3A = arith.constant 0 : i32
        %gt3A_74 = arith.cmpi sgt, %scan3A_37, %gt3A : i32
        %or3A_75 = arith.ori %ge3A_73, %gt3A_74 : i1
        %convert_element_type3A_76 = arith.extui %or3A_75 : i1 to i32
        %cond3A_77 = arith.constant 0 : i32
        %cond3A_78 = arith.cmpi ne, %convert_element_type3A_76, %cond3A_77 : i32
        scf.if %cond3A_78 {
          %mul3A_123 = arith.constant 2048 : i32
          %mul3A_124 = arith.muli %add3A_72, %mul3A_123 : i32
          %dma_wait3A_125 = arith.constant 0 : i32
          %dma_wait3A_126 = arith.constant 0 : i32
          %dma_wait3A_127 = tpu.memref_slice %arg7[%dma_wait3A_125, %dma_wait3A_126] : memref<2x2048xf32, #tpu.memory_space<vmem>> -> memref<1x2048xf32, #tpu.memory_space<vmem>>
          %dma_wait3A_128 = tpu.memref_squeeze %dma_wait3A_127 : memref<1x2048xf32, #tpu.memory_space<vmem>> -> memref<2048xf32, #tpu.memory_space<vmem>>
          %dma_wait3A_129 = tpu.memref_slice %arg4[%add3A_41, %mul3A_124] : memref<832x16384xf32, #tpu.memory_space<hbm>> -> memref<1x2048xf32, #tpu.memory_space<hbm>>
          %dma_wait3A_130 = tpu.memref_squeeze %dma_wait3A_129 : memref<1x2048xf32, #tpu.memory_space<hbm>> -> memref<2048xf32, #tpu.memory_space<hbm>>
          %dma_wait3A_131 = tpu.memref_slice %arg4[%add3A_41, %mul3A_124] : memref<832x16384xf32, #tpu.memory_space<hbm>> -> memref<1x2048xf32, #tpu.memory_space<hbm>>
          %dma_wait3A_132 = tpu.memref_squeeze %dma_wait3A_131 : memref<1x2048xf32, #tpu.memory_space<hbm>> -> memref<2048xf32, #tpu.memory_space<hbm>>
          %dma_wait3A_133 = arith.constant 0 : i32
          %dma_wait3A_134 = tpu.memref_slice %arg7[%dma_wait3A_125, %dma_wait3A_133] : memref<2x2048xf32, #tpu.memory_space<vmem>> -> memref<1x2048xf32, #tpu.memory_space<vmem>>
          %dma_wait3A_135 = tpu.memref_squeeze %dma_wait3A_134 : memref<1x2048xf32, #tpu.memory_space<vmem>> -> memref<2048xf32, #tpu.memory_space<vmem>>
          tpu.wait_dma2 semaphore(%arg10 : memref<!tpu.dma_semaphore, #tpu.memory_space<semaphore_mem>>) src(%dma_wait3A_135 : memref<2048xf32, #tpu.memory_space<vmem>>) dst(%dma_wait3A_132 : memref<2048xf32, #tpu.memory_space<hbm>>)
        } else {
        }
        %parallel_loop3A = arith.constant 0 : i32
        %parallel_loop3A_79 = arith.constant 2048 : i32
        %parallel_loop3A_80 = arith.constant 16 : i32
        scf.for %parallel_loop3A_123 = %parallel_loop3A to %parallel_loop3A_79 step %parallel_loop3A_80  : i32 {
          %parallel_loop3A_124 = arith.constant 2048 : i32
          %parallel_loop3A_125 = arith.muli %add3A_72, %parallel_loop3A_124 : i32
          %parallel_loop3A_126 = arith.addi %parallel_loop3A_125, %parallel_loop3A_123 : i32
          %parallel_loop3A_127 = arith.index_cast %parallel_loop3A_126 : i32 to index
          %parallel_loop3A_128 = tpu.vector_load %arg6[%parallel_loop3A_127] {strides = array<i32>} : memref<16384xi32, #tpu.memory_space<vmem>>, vector<16xi32>,
          %parallel_loop3A_129 = tpu.vector_load_idx %arg5[%parallel_loop3A_128] : memref<100000xf32, #tpu.memory_space<vmem>>[vector<16xi32>], vector<16xf32>,
          %parallel_loop3A_130 = arith.constant 0 : i32
          %parallel_loop3A_131 = arith.index_cast %parallel_loop3A_130 : i32 to index
          %parallel_loop3A_132 = arith.index_cast %parallel_loop3A_123 : i32 to index
          %parallel_loop3A_133 = tpu.vector_load %arg7[%parallel_loop3A_131, %parallel_loop3A_132] {strides = array<i32>} : memref<2x2048xf32, #tpu.memory_space<vmem>>, vector<16xf32>,
          tpu.vector_store %arg7[%parallel_loop3A_131, %parallel_loop3A_132], %parallel_loop3A_129 {strides = array<i32>} : memref<2x2048xf32, #tpu.memory_space<vmem>>, vector<16xf32>,
        } {sc.loop_unroll_factor = 16 : i64, sc.parallel_access}
        %mul3A_81 = arith.constant 2048 : i32
        %mul3A_82 = arith.muli %add3A_72, %mul3A_81 : i32
        %dma_start3A_83 = arith.constant 0 : i32
        %dma_start3A_84 = arith.constant 0 : i32
        %dma_start3A_85 = tpu.memref_slice %arg7[%dma_start3A_83, %dma_start3A_84] : memref<2x2048xf32, #tpu.memory_space<vmem>> -> memref<1x2048xf32, #tpu.memory_space<vmem>>
        %dma_start3A_86 = tpu.memref_squeeze %dma_start3A_85 : memref<1x2048xf32, #tpu.memory_space<vmem>> -> memref<2048xf32, #tpu.memory_space<vmem>>
        %dma_start3A_87 = tpu.memref_slice %arg4[%add3A_41, %mul3A_82] : memref<832x16384xf32, #tpu.memory_space<hbm>> -> memref<1x2048xf32, #tpu.memory_space<hbm>>
        %dma_start3A_88 = tpu.memref_squeeze %dma_start3A_87 : memref<1x2048xf32, #tpu.memory_space<hbm>> -> memref<2048xf32, #tpu.memory_space<hbm>>
        %dma_start3A_89 = tpu.memref_slice %arg4[%add3A_41, %mul3A_82] : memref<832x16384xf32, #tpu.memory_space<hbm>> -> memref<1x2048xf32, #tpu.memory_space<hbm>>
        %dma_start3A_90 = tpu.memref_squeeze %dma_start3A_89 : memref<1x2048xf32, #tpu.memory_space<hbm>> -> memref<2048xf32, #tpu.memory_space<hbm>>
        %dma_start3A_91 = arith.constant 0 : i32
        %dma_start3A_92 = tpu.memref_slice %arg7[%dma_start3A_83, %dma_start3A_91] : memref<2x2048xf32, #tpu.memory_space<vmem>> -> memref<1x2048xf32, #tpu.memory_space<vmem>>
        %dma_start3A_93 = tpu.memref_squeeze %dma_start3A_92 : memref<1x2048xf32, #tpu.memory_space<vmem>> -> memref<2048xf32, #tpu.memory_space<vmem>>
        tpu.enqueue_dma source(%dma_start3A_93 : memref<2048xf32, #tpu.memory_space<vmem>>) target(%dma_start3A_90 : memref<2048xf32, #tpu.memory_space<hbm>>) target_semaphore(%arg10 : memref<!tpu.dma_semaphore, #tpu.memory_space<semaphore_mem>>)
        %mul3A_94 = arith.constant 2 : i32
        %mul3A_95 = arith.muli %scan3A_67, %mul3A_94 : i32
        %add3A_96 = arith.constant 1 : i32
        %add3A_97 = arith.addi %mul3A_95, %add3A_96 : i32
        %ge3A_98 = arith.constant 1 : i32
        %ge3A_99 = arith.cmpi sge, %scan3A_67, %ge3A_98 : i32
        %gt3A_100 = arith.constant 0 : i32
        %gt3A_101 = arith.cmpi sgt, %scan3A_37, %gt3A_100 : i32
        %or3A_102 = arith.ori %ge3A_99, %gt3A_101 : i1
        %convert_element_type3A_103 = arith.extui %or3A_102 : i1 to i32
        %cond3A_104 = arith.constant 0 : i32
        %cond3A_105 = arith.cmpi ne, %convert_element_type3A_103, %cond3A_104 : i32
        scf.if %cond3A_105 {
          %mul3A_123 = arith.constant 2048 : i32
          %mul3A_124 = arith.muli %add3A_97, %mul3A_123 : i32
          %dma_wait3A_125 = arith.constant 1 : i32
          %dma_wait3A_126 = arith.constant 0 : i32
          %dma_wait3A_127 = tpu.memref_slice %arg7[%dma_wait3A_125, %dma_wait3A_126] : memref<2x2048xf32, #tpu.memory_space<vmem>> -> memref<1x2048xf32, #tpu.memory_space<vmem>>
          %dma_wait3A_128 = tpu.memref_squeeze %dma_wait3A_127 : memref<1x2048xf32, #tpu.memory_space<vmem>> -> memref<2048xf32, #tpu.memory_space<vmem>>
          %dma_wait3A_129 = tpu.memref_slice %arg4[%add3A_41, %mul3A_124] : memref<832x16384xf32, #tpu.memory_space<hbm>> -> memref<1x2048xf32, #tpu.memory_space<hbm>>
          %dma_wait3A_130 = tpu.memref_squeeze %dma_wait3A_129 : memref<1x2048xf32, #tpu.memory_space<hbm>> -> memref<2048xf32, #tpu.memory_space<hbm>>
          %dma_wait3A_131 = tpu.memref_slice %arg4[%add3A_41, %mul3A_124] : memref<832x16384xf32, #tpu.memory_space<hbm>> -> memref<1x2048xf32, #tpu.memory_space<hbm>>
          %dma_wait3A_132 = tpu.memref_squeeze %dma_wait3A_131 : memref<1x2048xf32, #tpu.memory_space<hbm>> -> memref<2048xf32, #tpu.memory_space<hbm>>
          %dma_wait3A_133 = arith.constant 0 : i32
          %dma_wait3A_134 = tpu.memref_slice %arg7[%dma_wait3A_125, %dma_wait3A_133] : memref<2x2048xf32, #tpu.memory_space<vmem>> -> memref<1x2048xf32, #tpu.memory_space<vmem>>
          %dma_wait3A_135 = tpu.memref_squeeze %dma_wait3A_134 : memref<1x2048xf32, #tpu.memory_space<vmem>> -> memref<2048xf32, #tpu.memory_space<vmem>>
          tpu.wait_dma2 semaphore(%arg11 : memref<!tpu.dma_semaphore, #tpu.memory_space<semaphore_mem>>) src(%dma_wait3A_135 : memref<2048xf32, #tpu.memory_space<vmem>>) dst(%dma_wait3A_132 : memref<2048xf32, #tpu.memory_space<hbm>>)
        } else {
        }
        %parallel_loop3A_106 = arith.constant 0 : i32
        %parallel_loop3A_107 = arith.constant 2048 : i32
        %parallel_loop3A_108 = arith.constant 16 : i32
        scf.for %parallel_loop3A_123 = %parallel_loop3A_106 to %parallel_loop3A_107 step %parallel_loop3A_108  : i32 {
          %parallel_loop3A_124 = arith.constant 2048 : i32
          %parallel_loop3A_125 = arith.muli %add3A_97, %parallel_loop3A_124 : i32
          %parallel_loop3A_126 = arith.addi %parallel_loop3A_125, %parallel_loop3A_123 : i32
          %parallel_loop3A_127 = arith.index_cast %parallel_loop3A_126 : i32 to index
          %parallel_loop3A_128 = tpu.vector_load %arg6[%parallel_loop3A_127] {strides = array<i32>} : memref<16384xi32, #tpu.memory_space<vmem>>, vector<16xi32>,
          %parallel_loop3A_129 = tpu.vector_load_idx %arg5[%parallel_loop3A_128] : memref<100000xf32, #tpu.memory_space<vmem>>[vector<16xi32>], vector<16xf32>,
          %parallel_loop3A_130 = arith.constant 1 : i32
          %parallel_loop3A_131 = arith.index_cast %parallel_loop3A_130 : i32 to index
          %parallel_loop3A_132 = arith.index_cast %parallel_loop3A_123 : i32 to index
          %parallel_loop3A_133 = tpu.vector_load %arg7[%parallel_loop3A_131, %parallel_loop3A_132] {strides = array<i32>} : memref<2x2048xf32, #tpu.memory_space<vmem>>, vector<16xf32>,
          tpu.vector_store %arg7[%parallel_loop3A_131, %parallel_loop3A_132], %parallel_loop3A_129 {strides = array<i32>} : memref<2x2048xf32, #tpu.memory_space<vmem>>, vector<16xf32>,
        } {sc.loop_unroll_factor = 16 : i64, sc.parallel_access}
        %mul3A_109 = arith.constant 2048 : i32
        %mul3A_110 = arith.muli %add3A_97, %mul3A_109 : i32
        %dma_start3A_111 = arith.constant 1 : i32
        %dma_start3A_112 = arith.constant 0 : i32
        %dma_start3A_113 = tpu.memref_slice %arg7[%dma_start3A_111, %dma_start3A_112] : memref<2x2048xf32, #tpu.memory_space<vmem>> -> memref<1x2048xf32, #tpu.memory_space<vmem>>
        %dma_start3A_114 = tpu.memref_squeeze %dma_start3A_113 : memref<1x2048xf32, #tpu.memory_space<vmem>> -> memref<2048xf32, #tpu.memory_space<vmem>>
        %dma_start3A_115 = tpu.memref_slice %arg4[%add3A_41, %mul3A_110] : memref<832x16384xf32, #tpu.memory_space<hbm>> -> memref<1x2048xf32, #tpu.memory_space<hbm>>
        %dma_start3A_116 = tpu.memref_squeeze %dma_start3A_115 : memref<1x2048xf32, #tpu.memory_space<hbm>> -> memref<2048xf32, #tpu.memory_space<hbm>>
        %dma_start3A_117 = tpu.memref_slice %arg4[%add3A_41, %mul3A_110] : memref<832x16384xf32, #tpu.memory_space<hbm>> -> memref<1x2048xf32, #tpu.memory_space<hbm>>
        %dma_start3A_118 = tpu.memref_squeeze %dma_start3A_117 : memref<1x2048xf32, #tpu.memory_space<hbm>> -> memref<2048xf32, #tpu.memory_space<hbm>>
        %dma_start3A_119 = arith.constant 0 : i32
        %dma_start3A_120 = tpu.memref_slice %arg7[%dma_start3A_111, %dma_start3A_119] : memref<2x2048xf32, #tpu.memory_space<vmem>> -> memref<1x2048xf32, #tpu.memory_space<vmem>>
        %dma_start3A_121 = tpu.memref_squeeze %dma_start3A_120 : memref<1x2048xf32, #tpu.memory_space<vmem>> -> memref<2048xf32, #tpu.memory_space<vmem>>
        tpu.enqueue_dma source(%dma_start3A_121 : memref<2048xf32, #tpu.memory_space<vmem>>) target(%dma_start3A_118 : memref<2048xf32, #tpu.memory_space<hbm>>) target_semaphore(%arg11 : memref<!tpu.dma_semaphore, #tpu.memory_space<semaphore_mem>>)
        %scan3A_122 = arith.constant 0 : i32
        scf.yield %scan3A_122 : i32
      }
      %scan3A_65 = arith.constant 4 : i32
      %scan3A_66 = arith.constant 0 : i32
      scf.yield %scan3A_66 : i32
    }
    %scan3A_6 = arith.constant 26 : i32
    %mul3A_7 = arith.constant 26 : i32
    %mul3A_8 = arith.muli %add3A, %mul3A_7 : i32
    %add3A_9 = arith.constant 26 : i32
    %add3A_10 = arith.addi %mul3A_8, %add3A_9 : i32
    %sub3A = arith.constant 1 : i32
    %sub3A_11 = arith.subi %add3A_10, %sub3A : i32
    %dma_wait3A = arith.constant 0 : i32
    %dma_wait3A_12 = arith.constant 0 : i32
    %dma_wait3A_13 = tpu.memref_slice %arg7[%dma_wait3A, %dma_wait3A_12] : memref<2x2048xf32, #tpu.memory_space<vmem>> -> memref<1x2048xf32, #tpu.memory_space<vmem>>
    %dma_wait3A_14 = tpu.memref_squeeze %dma_wait3A_13 : memref<1x2048xf32, #tpu.memory_space<vmem>> -> memref<2048xf32, #tpu.memory_space<vmem>>
    %dma_wait3A_15 = arith.constant 0 : i32
    %dma_wait3A_16 = tpu.memref_slice %arg4[%sub3A_11, %dma_wait3A_15] : memref<832x16384xf32, #tpu.memory_space<hbm>> -> memref<1x2048xf32, #tpu.memory_space<hbm>>
    %dma_wait3A_17 = tpu.memref_squeeze %dma_wait3A_16 : memref<1x2048xf32, #tpu.memory_space<hbm>> -> memref<2048xf32, #tpu.memory_space<hbm>>
    %dma_wait3A_18 = arith.constant 0 : i32
    %dma_wait3A_19 = tpu.memref_slice %arg4[%sub3A_11, %dma_wait3A_18] : memref<832x16384xf32, #tpu.memory_space<hbm>> -> memref<1x2048xf32, #tpu.memory_space<hbm>>
    %dma_wait3A_20 = tpu.memref_squeeze %dma_wait3A_19 : memref<1x2048xf32, #tpu.memory_space<hbm>> -> memref<2048xf32, #tpu.memory_space<hbm>>
    %dma_wait3A_21 = arith.constant 0 : i32
    %dma_wait3A_22 = tpu.memref_slice %arg7[%dma_wait3A, %dma_wait3A_21] : memref<2x2048xf32, #tpu.memory_space<vmem>> -> memref<1x2048xf32, #tpu.memory_space<vmem>>
    %dma_wait3A_23 = tpu.memref_squeeze %dma_wait3A_22 : memref<1x2048xf32, #tpu.memory_space<vmem>> -> memref<2048xf32, #tpu.memory_space<vmem>>
    tpu.wait_dma2 semaphore(%arg10 : memref<!tpu.dma_semaphore, #tpu.memory_space<semaphore_mem>>) src(%dma_wait3A_23 : memref<2048xf32, #tpu.memory_space<vmem>>) dst(%dma_wait3A_20 : memref<2048xf32, #tpu.memory_space<hbm>>)
    %dma_wait3A_24 = arith.constant 1 : i32
    %dma_wait3A_25 = arith.constant 0 : i32
    %dma_wait3A_26 = tpu.memref_slice %arg7[%dma_wait3A_24, %dma_wait3A_25] : memref<2x2048xf32, #tpu.memory_space<vmem>> -> memref<1x2048xf32, #tpu.memory_space<vmem>>
    %dma_wait3A_27 = tpu.memref_squeeze %dma_wait3A_26 : memref<1x2048xf32, #tpu.memory_space<vmem>> -> memref<2048xf32, #tpu.memory_space<vmem>>
    %dma_wait3A_28 = arith.constant 2048 : i32
    %dma_wait3A_29 = tpu.memref_slice %arg4[%sub3A_11, %dma_wait3A_28] : memref<832x16384xf32, #tpu.memory_space<hbm>> -> memref<1x2048xf32, #tpu.memory_space<hbm>>
    %dma_wait3A_30 = tpu.memref_squeeze %dma_wait3A_29 : memref<1x2048xf32, #tpu.memory_space<hbm>> -> memref<2048xf32, #tpu.memory_space<hbm>>
    %dma_wait3A_31 = arith.constant 2048 : i32
    %dma_wait3A_32 = tpu.memref_slice %arg4[%sub3A_11, %dma_wait3A_31] : memref<832x16384xf32, #tpu.memory_space<hbm>> -> memref<1x2048xf32, #tpu.memory_space<hbm>>
    %dma_wait3A_33 = tpu.memref_squeeze %dma_wait3A_32 : memref<1x2048xf32, #tpu.memory_space<hbm>> -> memref<2048xf32, #tpu.memory_space<hbm>>
    %dma_wait3A_34 = arith.constant 0 : i32
    %dma_wait3A_35 = tpu.memref_slice %arg7[%dma_wait3A_24, %dma_wait3A_34] : memref<2x2048xf32, #tpu.memory_space<vmem>> -> memref<1x2048xf32, #tpu.memory_space<vmem>>
    %dma_wait3A_36 = tpu.memref_squeeze %dma_wait3A_35 : memref<1x2048xf32, #tpu.memory_space<vmem>> -> memref<2048xf32, #tpu.memory_space<vmem>>
    tpu.wait_dma2 semaphore(%arg11 : memref<!tpu.dma_semaphore, #tpu.memory_space<semaphore_mem>>) src(%dma_wait3A_36 : memref<2048xf32, #tpu.memory_space<vmem>>) dst(%dma_wait3A_33 : memref<2048xf32, #tpu.memory_space<hbm>>)
    return
  }
}

</mosaic_0001>

<sc_bundles>
// kernel: kernel.3.cloned.1.call-start
scs
__scs_entry_jumppad:
0x0: {  	(pc) =	sbr.rel $0x88, $3  }
0x1: {  	(tag) =	ssettag $0x0;
	lr =	simm.s32 $0x1  }
0x2: {  	[smem:$0x3F9F] =	sst lr;
	_ =	strace $0xD0000000  }
0x3: {  	_ = 	snop  }
0x4: {  	_ = 	snop  }
0x5: {  	_ = 	snop  }
0x6: {  	_ = 	snop  }
0x7: {  	_ = 	snop  }
__scs_overlays_trampoline_lowered:
0x8: {  	[smem:$0x3FAE] =	sst s0  }
0x9: {  	[smem:$0x3FAF] =	sst s1  }
0xa: {  	[smem:$0x3FB0] =	sst s2  }
0xb: {  	[smem:$0x3FB1] =	sst s3  }
0xc: {  	[smem:$0x3FB2] =	sst s4  }
0xd: {  	[smem:$0x3FB3] =	sst s5  }
0xe: {  	[smem:$0x3FB4] =	sst s6  }
0xf: {  	[smem:$0x3FB5] =	sst s7  }
0x10: {  	[smem:$0x3FB6] =	sst s8  }
0x11: {  	[smem:$0x3FB7] =	sst s9;
	s0 =	simm.s32 @!p0 $0x0  }
0x12: {  	s1 =	sld [smem:$0x3F9D];
	s0 =	simm.s32 @p0 $0x1  }
0x13: {  	[smem:$0x3FB8] =	sst s0;
	s0 =	simm.s32 @!p1 $0x0  }
0x14: {  	s2 =	sld [smem:$0x3F9C];
	s0 =	simm.s32 @p1 $0x1  }
0x15: {  	[smem:$0x3FB9] =	sst s0;
	s0 =	simm.s32 @!p2 $0x0  }
0x16: {  	s3 =	sld [smem:$0x3FDB];
	s0 =	simm.s32 @p2 $0x1  }
0x17: {  	s4 =	simm.s32 $0x1BF5;
	[smem:$0x3FBB] =	sst s0  }
0x18: {  	s0 =	sld [smem:$0x3F9E];
	_ =	swait.ge [sflag:s4], $0x0  }
0x19: {  	s7 =	sld [smem:$0x3F9F]  }
0x1a: {  	s8 =	sadd.s32 $0xFFFFE003, lr  }
0x1b: {  	s9 =	sadd.s32 $0xFFFFFEF7, lr;
	s5 =	simm.s32 $0xFFFFFFFF;
	p2 =	slt.u32 s8, $0xFFFFF086  }
0x1c: {  	p1 =	slt.u32 s9, $0xF7A;
	s5 =	simm.s32 @!p2 $0x0  }
0x1d: {  	s5 =	simm.s32 @p1 $0x1;
	p0 =	seq.s32 s7, s2  }
0x1e: {  	s7 =	smul.u32 @!p0 $0xF7A, s2;
	p2 =	seq.s32 @!p0 s5, $0x0  }
0x1f: {  	s9 =	smul.u32 $0xF7A, s1;
	s8 =	simm.s32 @!p0 $0x1BF5;
	p2 =	por !p2, p0  }
0x20: {  	[sflag:s8] =	ssyncset.s32 @!p0 $0xFFFFF086;
	s6 =	sadd.s32 @!p0 s3, s7;
	s7 =	simm.s32 @!p0 $0x108  }
0x21: {  	s3 =	sadd.s32 s3, s9;
	s6 =	sadd.s32 @!p0 $0x88, s6;
	s7 =	simm.s32 @p2 $0x1082  }
0x22: {  	[simem:s7], [sflag:s8] =	dma.local @!p0 [hbm:s6], $0xF7A  }
0x23: {  	s9 =	sor.u32 $0xD0000000, s2;
	s6 =	simm.s32 $0x108;
	_ =	swait.ge @!p0 [sflag:s8], $0x0  }
0x24: {  	s3 =	sadd.s32 $0x88, s3;
	s6 =	simm.s32 @!p1 $0x1082;
	[sflag:s4] =	ssyncset.s32 $0xFFFFF086  }
0x25: {  	[simem:s6], [sflag:s4] =	dma.local [hbm:s3], $0xF7A  }
0x26: {  	[smem:$0x3F9F] =	sst s1;
	(tag) =	ssettag s2;
	_ =	strace s9  }
0x27: {  	s1 =	sld [smem:$0x3FAF]  }
0x28: {  	s2 =	sld [smem:$0x3FB0]  }
0x29: {  	s4 =	sld [smem:$0x3FB2]  }
0x2a: {  	p0 =	seq.s32 s5, $0x0;
	s5 =	sld [smem:$0x3FB3]  }
0x2b: {  	s6 =	sld [smem:$0x3FB4]  }
0x2c: {  	s7 =	sld [smem:$0x3FB5]  }
0x2d: {  	s3 =	simm.s32 $0x108;
	s8 =	sld [smem:$0x3FB6]  }
0x2e: {  	s3 =	simm.s32 @!p0 $0x1082;
	s9 =	sld [smem:$0x3FB7]  }
0x2f: {  	lr =	sadd.s32 s0, s3;
	s0 =	sld [smem:$0x3FAE]  }
0x30: {  	s3 =	sld [smem:$0x3FB1]  }
0x31: {  	[smem:$0x3FBA] =	sst s10  }
0x32: {  	s10 =	sld [smem:$0x3FB8];
	_ =	sdelay $0x3  }
0x33: {  	p0 =	seq.s32 s10, $0x1;
	s10 =	sld [smem:$0x3FBA];
	_ =	sdelay $0x3  }
0x34: {  	[smem:$0x3FBA] =	sst s10  }
0x35: {  	s10 =	sld [smem:$0x3FB9];
	_ =	sdelay $0x3  }
0x36: {  	p1 =	seq.s32 s10, $0x1;
	s10 =	sld [smem:$0x3FBA];
	_ =	sdelay $0x3  }
0x37: {  	[smem:$0x3FBA] =	sst s10  }
0x38: {  	s10 =	sld [smem:$0x3FBB]  }
0x39: {  	_ = 	snop;
	(pc) =	sbr.ind lr, $3  }
0x3a: {  	_ = 	snop  }
0x3b: {  	_ = 	snop  }
0x3c: {  	p2 =	seq.s32 s10, $0x1;
	s10 =	sld [smem:$0x3FBA]  }
0x3d: {  	_ =	shalt  }
0x3e: {  	_ =	shalt  }
0x3f: {  	_ =	shalt  }
0x40: {  	_ =	shalt  }
0x41: {  	_ =	shalt  }
0x42: {  	_ =	shalt  }
0x43: {  	_ =	shalt  }
0x44: {  	_ =	shalt  }
0x45: {  	_ =	shalt  }
0x46: {  	_ =	shalt  }
0x47: {  	_ =	shalt  }
0x48: {  	_ =	shalt  }
0x49: {  	_ =	shalt  }
0x4a: {  	_ =	shalt  }
0x4b: {  	_ =	shalt  }
0x4c: {  	_ =	shalt  }
0x4d: {  	_ =	shalt  }
0x4e: {  	_ =	shalt  }
0x4f: {  	_ =	shalt  }
0x50: {  	_ =	shalt  }
0x51: {  	_ =	shalt  }
0x52: {  	_ =	shalt  }
0x53: {  	_ =	shalt  }
0x54: {  	_ =	shalt  }
0x55: {  	_ =	shalt  }
0x56: {  	_ =	shalt  }
0x57: {  	_ =	shalt  }
0x58: {  	_ =	shalt  }
0x59: {  	_ =	shalt  }
0x5a: {  	_ =	shalt  }
0x5b: {  	_ =	shalt  }
0x5c: {  	_ =	shalt  }
0x5d: {  	_ =	shalt  }
0x5e: {  	_ =	shalt  }
0x5f: {  	_ =	shalt  }
0x60: {  	_ =	shalt  }
0x61: {  	_ =	shalt  }
0x62: {  	_ =	shalt  }
0x63: {  	_ =	shalt  }
0x64: {  	_ =	shalt  }
0x65: {  	_ =	shalt  }
0x66: {  	_ =	shalt  }
0x67: {  	_ =	shalt  }
0x68: {  	_ =	shalt  }
0x69: {  	_ =	shalt  }
0x6a: {  	_ =	shalt  }
0x6b: {  	_ =	shalt  }
0x6c: {  	_ =	shalt  }
0x6d: {  	_ =	shalt  }
0x6e: {  	_ =	shalt  }
0x6f: {  	_ =	shalt  }
0x70: {  	_ =	shalt  }
0x71: {  	_ =	shalt  }
0x72: {  	_ =	shalt  }
0x73: {  	_ =	shalt  }
0x74: {  	_ =	shalt  }
0x75: {  	_ =	shalt  }
0x76: {  	_ =	shalt  }
0x77: {  	_ =	shalt  }
0x78: {  	_ =	shalt  }
0x79: {  	_ =	shalt  }
0x7a: {  	_ =	shalt  }
0x7b: {  	_ =	shalt  }
0x7c: {  	_ =	shalt  }
0x7d: {  	_ =	shalt  }
0x7e: {  	_ =	shalt  }
0x7f: {  	_ =	shalt  }
0x80: {  	_ =	shalt  }
0x81: {  	_ =	shalt  }
0x82: {  	_ =	shalt  }
0x83: {  	_ =	shalt  }
0x84: {  	_ =	shalt  }
0x85: {  	_ =	shalt  }
0x86: {  	_ =	shalt  }
0x87: {  	_ =	shalt  }
.Lfunc_end0:
.L_simem_size_0:
called_computation_lowered:
.L_overlay_start_0:
0x88: {  	s2 =	sld [smem:$0x3FD9]  }
0x89: {  	s3 =	sld [smem:$0x3FFE];
	_ =	sdelay $0x1  }
0x8a: {  	s1 =	srdreg.scid  }
0x8b: {  	s0 =	sand.u32 $0x1, s1  }
0x8c: {  	s18 =	sshll.u32 s0, $0xA;
	s2 =	sadd.s32 s3, s2  }
0x8d: {  	s2 =	sadd.s32 s2, s18  }
0x8e: {  	[smem:$0x3FC6] =	sst s2  }
0x8f: {  	_ = 	snop  }
0x90: {  	s2 =	sld [smem:$0x3FC9]  }
0x91: {  	s19 =	sld [smem:$0x3FC8]  }
0x92: {  	s4 =	sld [smem:$0x3FD0];
	(tm) =	ssettm $0x1  }
0x93: {  	s5 =	sld [smem:$0x3FFB];
	_ =	sdelay $0x3  }
0x94: {  	_ =	strace s5  }
0x95: {  	s5 =	sld [smem:$0x3FFC];
	_ =	sdelay $0x3  }
0x96: {  	_ =	strace s5  }
0x97: {  	s5 =	sld [smem:$0x3FFD];
	_ =	sdelay $0x3  }
0x98: {  	_ =	strace s5  }
0x99: {  	_ =	strace $0x8FFFFFFF  }
0x9a: {  	s20 =	sld [smem:$0x3FDB];
	_ =	sdelay $0x1  }
0x9b: {  	s6 =	simm.s32 $_scs_section_size  }
0x9c: {  	s7 =	simm.s32 $_size__tile_overlayer_lowered;
	s8 =	simm.s32 $_tile_overlayer_lowered  }
0x9d: {  	s23 =	simm.s32 $0x1BFF;
	s22 =	sshll.u32 s8, $0x1;
	s5 =	sadd.s32 s6, s20  }
0x9e: {  	s9 =	simm.s32 $0x0;
	s21 =	sshll.u32 s7, $0x1;
	s7 =	sadd.s32 s22, s5  }
0x9f: {  	[timem:s9], [sflag:s23] =	dma.local [hbm:s7], s21  }
0xa0: {  	_ =	swait.ge [sflag:s23], s21  }
0xa1: {  	s6 =	ssub.s32 $0x0, s21;
	[sflag:s23] =	ssyncset.done $0x0  }
0xa2: {  	[sflag:s23] =	ssyncadd.s32 s6;
	_ =	sdelay $0x1  }
0xa3: {  	s24 =	simm.s32 $0x1B8B  }
0xa4: {  	_ =	swait.ge [sflag:s24], $0x1  }
0xa5: {  	[sflag:s24] =	ssyncset.done $0x0  }
0xa6: {  	s25 =	simm.s32 $0x1B8E;
	[sflag:s24] =	ssyncadd.s32 $0xFFFFFFFF  }
0xa7: {  	s26 =	simm.s32 $execute0_lowered;
	[smem:$0x3FD2] =	sst s25  }
0xa8: {  	s6 =	sshll.u32 s26, $0x1;
	_ =	strace $0x80000046;
	[dreg:$0x1] =	wrdreg $0xFFFFFFFF  }
0xa9: {  	s28 =	simm.s32 $_size_execute0_lowered;
	s5 =	sadd.s32 s5, s6;
	[dreg:$0x0] =	wrdreg $0x0  }
0xaa: {  	s6 =	sshll.u32 s28, $0x1;
	[dreg:$0x2] =	wrdreg s5  }
0xab: {  	[dreg:$0x3] =	wrdreg s6  }
0xac: {  	[dreg:$0x4] =	wrdreg $0xC0  }
0xad: {  	_ =	task [dreg:s9], $0x5FFFF  }
0xae: {  	[dreg:$0x1] =	wrdreg $0xFFFFFFFF  }
0xaf: {  	[dreg:$0x0] =	wrdreg $0x60  }
0xb0: {  	[dreg:$0x2] =	wrdreg s19  }
0xb1: {  	[dreg:$0x3] =	wrdreg s2  }
0xb2: {  	[dreg:$0x4] =	wrdreg s4  }
0xb3: {  	[dreg:$0x5] =	wrdreg $0x9  }
0xb4: {  	_ =	task.clear_ibuf [dreg:s9], $0x6FFFF;
	_ =	strace $0x90000046  }
0xb5: {  	s29 =	simm.s32 $0x9;
	_ =	strace $0x80000048  }
0xb6: {  	_ =	swait.ge [sflag:s29], $0x1  }
0xb7: {  	[sflag:s29] =	ssyncadd.s32 $0xFFFFFFFF  }
0xb8: {  	_ =	strace $0x90000048  }
0xb9: {  	_ =	sfence  }
0xba: {  	s30 =	sld [smem:$0x0];
	_ =	sdelay $0x2  }
0xbb: {  	s31 =	sshll.u32 s1, $0xD;
	s1 =	sshrl.u32 s1, $0x2  }
0xbc: {  	s3 =	sand.u32 $0x4000, s31;
	s1 =	sadd.s32 s1, s30  }
0xbd: {  	s0 =	sor.u32 s3, s0;
	s1 =	sshll.u32 s1, $0x11  }
0xbe: {  	s0 =	sor.u32 s1, s0  }
0xbf: {  	s0 =	sadd.s32 $0x8F2B, s0  }
0xc0: {  	[sflag:s0] =	ssyncadd.remote.s32 $0x1  }
0xc1: {  	_ =	sfence.sel $0xFFFF  }
0xc2: {  	[dreg:$0x0] =	wrdreg $0xFFFFFFFF;
	(pc) =	sbr.abs _section_cstart, $3  }
0xc3: {  	[dreg:$0x1] =	wrdreg $0xFFFFFFFF  }
0xc4: {  	_ =	task.clear_ibuf [dreg:s9], $0x2FFFF;
	_ =	strace $0x9FFFFFFF  }
0xc5: {  	(tm) =	ssettm $0x7FFFFFFF  }
tec
execute0_lowered:
.L_overlay_start_1:
0x0: {  	(tag) =	ssettag $0x1  }
0x1: {  	s3 =	rddreg [dreg:$0x2]  }
0x2: {  	s0 =	srdreg.scid;
	s5 =	simm.s32 $0x0;
	s4 =	stileid.u32  }
0x3: {  	s29 =	simm.s32 $0x1D600;
	s30 =	simm.s32 $0x1C780;
	s31 =	simm.s32 $0x1C880  }
0x4: {  	s7 =	simm.s32 $0x1CB80;
	s10 =	simm.s32 $0x1CD80;
	s11 =	simm.s32 $0x1CF80  }
0x5: {  	s8 =	simm.s32 $0x1D080;
	s9 =	simm.s32 $0x1D180;
	s6 =	simm.s32 $0x1D280  }
0x6: {  	s12 =	simm.s32 $0x1D380;
	s13 =	simm.s32 $0x1D480;
	s14 =	simm.s32 $0x1D580  }
0x7: {  	s15 =	simm.s32 $0x1D680;
	s0 =	sand.u32 $0x1, s0;
	s4 =	sshll.u32 s4, $0x1  }
0x8: {  	s18 =	simm.s32 $0x0;
	s1 =	ssub.s32 $0x2, s0;
	s0 =	sor.u32 s0, s4  }
0x9: {  	[smem:$0x7FF] =	sst s5;
	s2 =	sshrl.u32 s1, $0x1;
	s0 =	smul.u32 $0x1A, s0  }
0xa: {  	_ =	strace $0x80000047;
	s4 =	simm.s32 $0x1CA80;
	s1 =	ssub.s32 s1, s2  }
0xb: {  	s2 =	simm.s32 $0x1CC80;
	[dreg:$0x4] =	wrdreg s0;
	s28 =	smax.u32 s1, $0x1  }
0xc: {  	s0 =	simm.s32 $0x1C980;
	s1 =	simm.s32 $0x1CE80;
	[dreg:$0x5] =	wrdreg s28  }
.LBB2_1:
0xd: {  	[dreg:$0x6] =	wrdreg s18;
	s16 =	simm.s32 $0x0  }
.LBB2_2:
0xe: {  	s17 =	rddreg [dreg:$0x4]  }
0xf: {  	s19 =	sadd.s32 s17, s16  }
0x10: {  	s17 =	sshrl.u32 s19, $0x3  }
0x11: {  	s18 =	sshll.u32 s19, $0x7;
	s20 =	smul.u32 $0xC3800, s17  }
0x12: {  	s18 =	sand.u32 $0x380, s18  }
0x13: {  	s20 =	sor.u32 s18, s20  }
0x14: {  	s21 =	rddreg [dreg:$0x0];
	s20 =	sshrl.u32 s20, $0x3  }
0x15: {  	s26 =	simm.s32 $0x80;
	s22 =	simm.s32 $0x400;
	s20 =	sadd.s32 s21, s20  }
0x16: {  	[tilespmem:s5], [sflag:$0x1] =	stream.strided.gather [hbm4b:s20+s26], $0x18700, s22, s26, $0x38;
	[tilespmem:$0x1D700] =	vst v63  }
0x17: {  	p0 =	seq.s32 s16, $0x0;
	s20 =	sand.u32 $0x1F, s19  }
0x18: {  	p1 =	sne.s32 @!p0 s20, $0x0  }
0x19: {  	p0 =	por p0, !p1  }
0x1a: {  	s20 =	sshrl.u32 @p0 s19, $0x1  }
0x1b: {  	s19 =	sshll.u32 @p0 s19, $0x6;
	s21 =	rddreg @p0 [dreg:$0x1];
	s20 =	sand.u32 @p0 $0x70, s20  }
0x1c: {  	s22 =	simm.s32 @p0 $0x18700;
	s19 =	sand.u32 @p0 $0xFFFC000, s19;
	s20 =	sadd.s32 @p0 s21, s20  }
0x1d: {  	s21 =	simm.s32 @p0 $0x400;
	s19 =	sadd.s32 @p0 s19, s20;
	s20 =	simm.s32 @p0 $0x80  }
0x1e: {  	[tilespmem:s22], [sflag:$0x2] =	stream.strided.gather @p0 [hbm4b:s19+s20], $0x4000, s21, s20, $0x38;
	[tilespmem:$0x1D700] =	vst v63  }
0x1f: {  	s19 =	simm.s32 @p0 $0x2  }
0x20: {  	_ =	swait.ge @p0 [sflag:s19], $0x4000  }
0x21: {  	[sflag:s19] =	ssyncset.done @p0 $0x0  }
0x22: {  	s28 =	simm.s32 $0x1;
	[sflag:s19] =	ssyncadd.s32 @p0 $0xFFFFC000  }
0x23: {  	s17 =	sshll.u32 s17, $0x11;
	_ =	swait.ge [sflag:s28], $0x18700  }
0x24: {  	s17 =	sor.u32 s18, s17;
	s18 =	simm.s32 $0x0;
	[sflag:s28] =	ssyncset.done $0x0  }
0x25: {  	s20 =	simm.s32 $0x18FF0;
	s19 =	simm.s32 $0x18780;
	[sflag:s28] =	ssyncadd.s32 $0xFFFE7900  }
.LBB2_3:
0x26: {  	s21 =	sor.u32 s16, s18  }
0x27: {  	p0 =	seq.s32 s21, $0x0  }
0x28: {  	s21 =	simm.s32 @!p0 $0x3  }
0x29: {  	_ =	swait.ge @!p0 [sflag:s21], $0x800  }
0x2a: {  	[sflag:s21] =	ssyncset.done @!p0 $0x0  }
0x2b: {  	[sflag:s21] =	ssyncadd.s32 @!p0 $0xFFFFF800  }
0x2c: {  	v0 =	vld [tilespmem:s19+$0x70]  }
0x2d: {  	v1 =	vld [tilespmem:s19+$0xFFFFFF90]  }
0x2e: {  	v2 =	vld [tilespmem:s19+$0xFFFFFFA0]  }
0x2f: {  	v3 =	vld [tilespmem:s19+$0xFFFFFFB0]  }
0x30: {  	v4 =	vld [tilespmem:s19+$0xFFFFFFC0]  }
0x31: {  	v5 =	vld [tilespmem:s19+$0xFFFFFFD0]  }
0x32: {  	v6 =	vld [tilespmem:s19+$0xFFFFFFE0]  }
0x33: {  	v7 =	vld [tilespmem:s19+$0xFFFFFFF0]  }
0x34: {  	v8 =	vld [tilespmem:s19+$0x0]  }
0x35: {  	v9 =	vld [tilespmem:s19+$0x10]  }
0x36: {  	v10 =	vld [tilespmem:s19+$0x20]  }
0x37: {  	v11 =	vld [tilespmem:s19+$0x30]  }
0x38: {  	v12 =	vld [tilespmem:s19+$0x40]  }
0x39: {  	v13 =	vld [tilespmem:s19+$0x50]  }
0x3a: {  	v14 =	vld [tilespmem:s19+$0x60]  }
0x3b: {  	v15 =	vld [tilespmem:s19+$0xFFFFFF80]  }
0x3c: {  	v0 =	vld.idx.msk [tilespmem:v0+s5+$0x0], $0xffff  }
0x3d: {  	v1 =	vld.idx.msk [tilespmem:v1+s5+$0x0], $0xffff  }
0x3e: {  	v2 =	vld.idx.msk [tilespmem:v2+s5+$0x0], $0xffff  }
0x3f: {  	v3 =	vld.idx.msk [tilespmem:v3+s5+$0x0], $0xffff  }
0x40: {  	v4 =	vld.idx.msk [tilespmem:v4+s5+$0x0], $0xffff  }
0x41: {  	s21 =	simm.s32 $0x1C800;
	v5 =	vld.idx.msk [tilespmem:v5+s5+$0x0], $0xffff  }
0x42: {  	v6 =	vld.idx.msk [tilespmem:v6+s5+$0x0], $0xffff;
	[tilespmem:s21+$0x70] =	vst v0  }
0x43: {  	v7 =	vld.idx.msk [tilespmem:v7+s5+$0x0], $0xffff;
	[tilespmem:s21+$0xFFFFFF10] =	vst v1  }
0x44: {  	v15 =	vld.idx.msk [tilespmem:v15+s5+$0x0], $0xffff;
	[tilespmem:s21+$0xFFFFFF20] =	vst v2  }
0x45: {  	v8 =	vld.idx.msk [tilespmem:v8+s5+$0x0], $0xffff;
	[tilespmem:s21+$0xFFFFFF30] =	vst v3  }
0x46: {  	[tilespmem:s21+$0xFFFFFF40] =	vst v4;
	v0 =	vld.idx.msk [tilespmem:v9+s5+$0x0], $0xffff  }
0x47: {  	[tilespmem:s21+$0xFFFFFF50] =	vst v5;
	v1 =	vld.idx.msk [tilespmem:v10+s5+$0x0], $0xffff  }
0x48: {  	[tilespmem:s21+$0xFFFFFF60] =	vst v6;
	v2 =	vld.idx.msk [tilespmem:v11+s5+$0x0], $0xffff  }
0x49: {  	[tilespmem:s21+$0xFFFFFF70] =	vst v7;
	v3 =	vld.idx.msk [tilespmem:v12+s5+$0x0], $0xffff  }
0x4a: {  	[tilespmem:s21+$0xFFFFFF00] =	vst v15;
	v4 =	vld.idx.msk [tilespmem:v13+s5+$0x0], $0xffff  }
0x4b: {  	s22 =	simm.s32 $0x0;
	s23 =	sadd.s32 $0x100, s19;
	[tilespmem:s21+$0x0] =	vst v8;
	v5 =	vld.idx.msk [tilespmem:v14+s5+$0x0], $0xffff  }
.LBB2_4:
0x4c: {  	v6 =	vld [tilespmem:s23+$0x70];
	s22 =	sadd.s32 $0x100, s22;
	[tilespmem:s21+$0x10] =	vst v0  }
0x4d: {  	v0 =	vld [tilespmem:s23+$0xFFFFFF90];
	p1 =	slt.u32 s22, $0x700;
	[tilespmem:s21+$0x20] =	vst v1  }
0x4e: {  	v1 =	vld [tilespmem:s23+$0xFFFFFFA0];
	[tilespmem:s21+$0x30] =	vst v2  }
0x4f: {  	v2 =	vld [tilespmem:s23+$0xFFFFFFB0];
	[tilespmem:s21+$0x40] =	vst v3  }
0x50: {  	v3 =	vld [tilespmem:s23+$0xFFFFFFC0];
	[tilespmem:s21+$0x50] =	vst v4  }
0x51: {  	v4 =	vld [tilespmem:s23+$0xFFFFFFD0];
	[tilespmem:s21+$0x60] =	vst v5  }
0x52: {  	v5 =	vld [tilespmem:s23+$0xFFFFFFE0]  }
0x53: {  	v7 =	vld [tilespmem:s23+$0xFFFFFFF0]  }
0x54: {  	v6 =	vld.idx.msk [tilespmem:v6+s5+$0x0], $0xffff  }
0x55: {  	v8 =	vld [tilespmem:s23+$0x0]  }
0x56: {  	v9 =	vld [tilespmem:s23+$0x10]  }
0x57: {  	v10 =	vld [tilespmem:s23+$0x20]  }
0x58: {  	v11 =	vld [tilespmem:s23+$0x30]  }
0x59: {  	s21 =	sadd.s32 $0x200, s21;
	v12 =	vld [tilespmem:s23+$0x40]  }
0x5a: {  	v13 =	vld [tilespmem:s23+$0x50];
	[tilespmem:s21+$0x70] =	vst v6  }
0x5b: {  	v6 =	vld [tilespmem:s23+$0x60]  }
0x5c: {  	v14 =	vld [tilespmem:s23+$0xFFFFFF80]  }
0x5d: {  	v0 =	vld.idx.msk [tilespmem:v0+s5+$0x0], $0xffff  }
0x5e: {  	v1 =	vld.idx.msk [tilespmem:v1+s5+$0x0], $0xffff  }
0x5f: {  	v2 =	vld.idx.msk [tilespmem:v2+s5+$0x0], $0xffff  }
0x60: {  	v3 =	vld.idx.msk [tilespmem:v3+s5+$0x0], $0xffff  }
0x61: {  	v4 =	vld.idx.msk [tilespmem:v4+s5+$0x0], $0xffff  }
0x62: {  	v5 =	vld.idx.msk [tilespmem:v5+s5+$0x0], $0xffff  }
0x63: {  	[tilespmem:s21+$0xFFFFFF10] =	vst v0;
	v7 =	vld.idx.msk [tilespmem:v7+s5+$0x0], $0xffff  }
0x64: {  	v14 =	vld.idx.msk [tilespmem:v14+s5+$0x0], $0xffff;
	[tilespmem:s21+$0xFFFFFF20] =	vst v1  }
0x65: {  	[tilespmem:s21+$0xFFFFFF30] =	vst v2;
	v8 =	vld.idx.msk [tilespmem:v8+s5+$0x0], $0xffff  }
0x66: {  	[tilespmem:s21+$0xFFFFFF40] =	vst v3;
	v0 =	vld.idx.msk [tilespmem:v9+s5+$0x0], $0xffff  }
.Ltmp0:
0x67: {  	[tilespmem:s21+$0xFFFFFF50] =	vst v4;
	v1 =	vld.idx.msk [tilespmem:v10+s5+$0x0], $0xffff;
	(pc) =	sbr.rel @p1 .LBB2_4-.Ltmp0, $4  }
0x68: {  	[tilespmem:s21+$0xFFFFFF60] =	vst v5;
	v2 =	vld.idx.msk [tilespmem:v11+s5+$0x0], $0xffff  }
0x69: {  	[tilespmem:s21+$0xFFFFFF70] =	vst v7;
	v3 =	vld.idx.msk [tilespmem:v12+s5+$0x0], $0xffff  }
0x6a: {  	[tilespmem:s21+$0xFFFFFF00] =	vst v14;
	v4 =	vld.idx.msk [tilespmem:v13+s5+$0x0], $0xffff  }
0x6b: {  	s23 =	sadd.s32 $0x100, s23;
	[tilespmem:s21+$0x0] =	vst v8;
	v5 =	vld.idx.msk [tilespmem:v6+s5+$0x0], $0xffff  }
0x6c: {  	[tilespmem:s21+$0x10] =	vst v0  }
0x6d: {  	[tilespmem:s21+$0x20] =	vst v1  }
0x6e: {  	s22 =	sshll.u32 s18, $0xF;
	[tilespmem:s21+$0x30] =	vst v2  }
0x6f: {  	s22 =	sadd.s32 s17, s22;
	[tilespmem:s21+$0x40] =	vst v3  }
0x70: {  	s22 =	sshrl.u32 s22, $0x3;
	[tilespmem:s21+$0x50] =	vst v4  }
0x71: {  	s24 =	simm.s32 $0x1C700;
	[tilespmem:s21+$0x60] =	vst v5;
	s21 =	sadd.s32 s3, s22  }
0x72: {  	[hbm4b:s21+s5] =	stream.linear.scatter [tilespmem:s24], [sflag:$0x3], $0x80, $0x38;
	[tilespmem:$0x1D700] =	vst v63  }
0x73: {  	s23 =	simm.s32 $0x1C800;
	s25 =	sadd.s32 $0x80, s21  }
0x74: {  	[hbm4b:s25+s5] =	stream.linear.scatter [tilespmem:s23], [sflag:$0x3], $0x80, $0x38;
	[tilespmem:$0x1D700] =	vst v63  }
0x75: {  	s28 =	simm.s32 $0x1C900;
	s26 =	sadd.s32 $0x100, s21  }
0x76: {  	[hbm4b:s26+s5] =	stream.linear.scatter [tilespmem:s28], [sflag:$0x3], $0x80, $0x38;
	[tilespmem:$0x1D700] =	vst v63  }
0x77: {  	s24 =	sadd.s32 $0x180, s21;
	s25 =	simm.s32 $0x1CA00  }
0x78: {  	[hbm4b:s24+s5] =	stream.linear.scatter [tilespmem:s25], [sflag:$0x3], $0x80, $0x38;
	[tilespmem:$0x1D700] =	vst v63  }
0x79: {  	s26 =	sadd.s32 $0x200, s21;
	s28 =	simm.s32 $0x1CB00  }
0x7a: {  	[hbm4b:s26+s5] =	stream.linear.scatter [tilespmem:s28], [sflag:$0x3], $0x80, $0x38;
	[tilespmem:$0x1D700] =	vst v63  }
0x7b: {  	s24 =	sadd.s32 $0x280, s21;
	s25 =	simm.s32 $0x1CC00  }
0x7c: {  	[hbm4b:s24+s5] =	stream.linear.scatter [tilespmem:s25], [sflag:$0x3], $0x80, $0x38;
	[tilespmem:$0x1D700] =	vst v63  }
0x7d: {  	s26 =	sadd.s32 $0x300, s21;
	s28 =	simm.s32 $0x1CD00  }
0x7e: {  	[hbm4b:s26+s5] =	stream.linear.scatter [tilespmem:s28], [sflag:$0x3], $0x80, $0x38;
	[tilespmem:$0x1D700] =	vst v63  }
0x7f: {  	s24 =	sadd.s32 $0x380, s21;
	s25 =	simm.s32 $0x1CE00  }
0x80: {  	[hbm4b:s24+s5] =	stream.linear.scatter [tilespmem:s25], [sflag:$0x3], $0x80, $0x38;
	[tilespmem:$0x1D700] =	vst v63  }
0x81: {  	s26 =	sadd.s32 $0x400, s21;
	s28 =	simm.s32 $0x1CF00  }
0x82: {  	[hbm4b:s26+s5] =	stream.linear.scatter [tilespmem:s28], [sflag:$0x3], $0x80, $0x38;
	[tilespmem:$0x1D700] =	vst v63  }
0x83: {  	s24 =	sadd.s32 $0x480, s21;
	s25 =	simm.s32 $0x1D000  }
0x84: {  	[hbm4b:s24+s5] =	stream.linear.scatter [tilespmem:s25], [sflag:$0x3], $0x80, $0x38;
	[tilespmem:$0x1D700] =	vst v63  }
0x85: {  	s26 =	sadd.s32 $0x500, s21;
	s28 =	simm.s32 $0x1D100  }
0x86: {  	[hbm4b:s26+s5] =	stream.linear.scatter [tilespmem:s28], [sflag:$0x3], $0x80, $0x38;
	[tilespmem:$0x1D700] =	vst v63  }
0x87: {  	s24 =	sadd.s32 $0x580, s21;
	s25 =	simm.s32 $0x1D200  }
0x88: {  	[hbm4b:s24+s5] =	stream.linear.scatter [tilespmem:s25], [sflag:$0x3], $0x80, $0x38;
	[tilespmem:$0x1D700] =	vst v63  }
0x89: {  	s26 =	sadd.s32 $0x600, s21;
	s28 =	simm.s32 $0x1D300  }
0x8a: {  	[hbm4b:s26+s5] =	stream.linear.scatter [tilespmem:s28], [sflag:$0x3], $0x80, $0x38;
	[tilespmem:$0x1D700] =	vst v63  }
0x8b: {  	s23 =	sadd.s32 $0x680, s21;
	s24 =	simm.s32 $0x1D400  }
0x8c: {  	[hbm4b:s23+s5] =	stream.linear.scatter [tilespmem:s24], [sflag:$0x3], $0x80, $0x38;
	[tilespmem:$0x1D700] =	vst v63  }
0x8d: {  	s25 =	sadd.s32 $0x700, s21;
	s26 =	simm.s32 $0x1D500  }
0x8e: {  	[hbm4b:s25+s5] =	stream.linear.scatter [tilespmem:s26], [sflag:$0x3], $0x80, $0x38;
	[tilespmem:$0x1D700] =	vst v63  }
0x8f: {  	s21 =	sadd.s32 $0x780, s21  }
0x90: {  	[hbm4b:s21+s5] =	stream.linear.scatter [tilespmem:s29], [sflag:$0x3], $0x80, $0x38;
	[tilespmem:$0x1D700] =	vst v63  }
0x91: {  	s21 =	simm.s32 @!p0 $0x4  }
0x92: {  	_ =	swait.ge @!p0 [sflag:s21], $0x800  }
0x93: {  	[sflag:s21] =	ssyncset.done @!p0 $0x0  }
0x94: {  	[sflag:s21] =	ssyncadd.s32 @!p0 $0xFFFFF800  }
0x95: {  	v0 =	vld [tilespmem:s20+$0x0]  }
0x96: {  	v1 =	vld [tilespmem:s20+$0xFFFFFF20]  }
0x97: {  	v2 =	vld [tilespmem:s20+$0xFFFFFF30]  }
0x98: {  	v3 =	vld [tilespmem:s20+$0xFFFFFF40]  }
0x99: {  	v4 =	vld [tilespmem:s20+$0xFFFFFF50]  }
0x9a: {  	v5 =	vld [tilespmem:s20+$0xFFFFFF60]  }
0x9b: {  	v6 =	vld [tilespmem:s20+$0xFFFFFF70]  }
0x9c: {  	v7 =	vld [tilespmem:s20+$0xFFFFFF80]  }
0x9d: {  	v8 =	vld [tilespmem:s20+$0xFFFFFF90]  }
0x9e: {  	v9 =	vld [tilespmem:s20+$0xFFFFFFA0]  }
0x9f: {  	v10 =	vld [tilespmem:s20+$0xFFFFFFB0]  }
0xa0: {  	v11 =	vld [tilespmem:s20+$0xFFFFFFC0]  }
0xa1: {  	v12 =	vld [tilespmem:s20+$0xFFFFFFD0]  }
0xa2: {  	v13 =	vld [tilespmem:s20+$0xFFFFFFE0]  }
0xa3: {  	v14 =	vld [tilespmem:s20+$0xFFFFFFF0]  }
0xa4: {  	v15 =	vld [tilespmem:s20+$0xFFFFFF10]  }
0xa5: {  	v0 =	vld.idx.msk [tilespmem:v0+s5+$0x0], $0xffff  }
0xa6: {  	v1 =	vld.idx.msk [tilespmem:v1+s5+$0x0], $0xffff  }
0xa7: {  	v2 =	vld.idx.msk [tilespmem:v2+s5+$0x0], $0xffff  }
0xa8: {  	v3 =	vld.idx.msk [tilespmem:v3+s5+$0x0], $0xffff  }
0xa9: {  	s22 =	simm.s32 $0x1E0;
	v4 =	vld.idx.msk [tilespmem:v4+s5+$0x0], $0xffff  }
0xaa: {  	s28 =	sor.u32 $0x70, s22;
	v5 =	vld.idx.msk [tilespmem:v5+s5+$0x0], $0xffff  }
0xab: {  	s21 =	simm.s32 $0x1C7F0;
	v6 =	vld.idx.msk [tilespmem:v6+s5+$0x0], $0xffff;
	[tilespmem:s28+$0x1C700] =	vst v0  }
0xac: {  	v7 =	vld.idx.msk [tilespmem:v7+s5+$0x0], $0xffff;
	[tilespmem:s21+$0xFFFFFFA0] =	vst v1  }
0xad: {  	v15 =	vld.idx.msk [tilespmem:v15+s5+$0x0], $0xffff;
	[tilespmem:s21+$0xFFFFFFB0] =	vst v2  }
0xae: {  	v8 =	vld.idx.msk [tilespmem:v8+s5+$0x0], $0xffff;
	[tilespmem:s21+$0xFFFFFFC0] =	vst v3  }
0xaf: {  	[tilespmem:s21+$0xFFFFFFD0] =	vst v4;
	v0 =	vld.idx.msk [tilespmem:v9+s5+$0x0], $0xffff  }
0xb0: {  	[tilespmem:s21+$0xFFFFFFE0] =	vst v5;
	v1 =	vld.idx.msk [tilespmem:v10+s5+$0x0], $0xffff  }
0xb1: {  	[tilespmem:s21+$0xFFFFFFF0] =	vst v6;
	v2 =	vld.idx.msk [tilespmem:v11+s5+$0x0], $0xffff  }
0xb2: {  	[tilespmem:s21+$0x0] =	vst v7;
	v3 =	vld.idx.msk [tilespmem:v12+s5+$0x0], $0xffff  }
0xb3: {  	s23 =	sshllo.u32 s18, $0x1;
	s25 =	simm.s32 $0x1C0;
	[tilespmem:s21+$0xFFFFFF90] =	vst v15;
	v4 =	vld.idx.msk [tilespmem:v13+s5+$0x0], $0xffff  }
0xb4: {  	s24 =	simm.s32 $0x0;
	s26 =	sor.u32 $0x60, s25;
	s25 =	sadd.s32 $0x100, s20;
	[tilespmem:s21+$0x90] =	vst v8;
	v5 =	vld.idx.msk [tilespmem:v14+s5+$0x0], $0xffff  }
.LBB2_6:
0xb5: {  	v6 =	vld [tilespmem:s25+$0x0];
	s24 =	sadd.s32 $0x100, s24;
	[tilespmem:s21+$0xA0] =	vst v0  }
0xb6: {  	v0 =	vld [tilespmem:s25+$0xFFFFFF20];
	p0 =	slt.u32 s24, $0x700;
	[tilespmem:s21+$0xB0] =	vst v1  }
0xb7: {  	v1 =	vld [tilespmem:s25+$0xFFFFFF30];
	[tilespmem:s21+$0xC0] =	vst v2  }
0xb8: {  	v2 =	vld [tilespmem:s25+$0xFFFFFF40];
	[tilespmem:s21+$0xD0] =	vst v3  }
0xb9: {  	v3 =	vld [tilespmem:s25+$0xFFFFFF50];
	[tilespmem:s21+$0xE0] =	vst v4  }
0xba: {  	v4 =	vld [tilespmem:s25+$0xFFFFFF60];
	[tilespmem:s26+$0x1C700] =	vst v5  }
0xbb: {  	v5 =	vld [tilespmem:s25+$0xFFFFFF70]  }
0xbc: {  	v7 =	vld [tilespmem:s25+$0xFFFFFF80]  }
0xbd: {  	v6 =	vld.idx.msk [tilespmem:v6+s5+$0x0], $0xffff  }
0xbe: {  	v8 =	vld [tilespmem:s25+$0xFFFFFF90]  }
0xbf: {  	v9 =	vld [tilespmem:s25+$0xFFFFFFA0]  }
0xc0: {  	v10 =	vld [tilespmem:s25+$0xFFFFFFB0]  }
0xc1: {  	s22 =	sadd.s32 $0x200, s22;
	v11 =	vld [tilespmem:s25+$0xFFFFFFC0]  }
0xc2: {  	s28 =	sor.u32 $0x70, s22;
	s26 =	sadd.s32 $0xFFFFFFE0, s22;
	v12 =	vld [tilespmem:s25+$0xFFFFFFD0]  }
0xc3: {  	s26 =	sor.u32 $0x60, s26;
	v13 =	vld [tilespmem:s25+$0xFFFFFFE0];
	[tilespmem:s28+$0x1C700] =	vst v6  }
0xc4: {  	v6 =	vld [tilespmem:s25+$0xFFFFFFF0]  }
0xc5: {  	v14 =	vld [tilespmem:s25+$0xFFFFFF10]  }
0xc6: {  	v0 =	vld.idx.msk [tilespmem:v0+s5+$0x0], $0xffff  }
0xc7: {  	v1 =	vld.idx.msk [tilespmem:v1+s5+$0x0], $0xffff  }
0xc8: {  	v2 =	vld.idx.msk [tilespmem:v2+s5+$0x0], $0xffff  }
0xc9: {  	v3 =	vld.idx.msk [tilespmem:v3+s5+$0x0], $0xffff  }
0xca: {  	v4 =	vld.idx.msk [tilespmem:v4+s5+$0x0], $0xffff  }
0xcb: {  	s21 =	sadd.s32 $0x200, s21;
	v5 =	vld.idx.msk [tilespmem:v5+s5+$0x0], $0xffff  }
0xcc: {  	[tilespmem:s21+$0xFFFFFFA0] =	vst v0;
	v7 =	vld.idx.msk [tilespmem:v7+s5+$0x0], $0xffff  }
0xcd: {  	v14 =	vld.idx.msk [tilespmem:v14+s5+$0x0], $0xffff;
	[tilespmem:s21+$0xFFFFFFB0] =	vst v1  }
0xce: {  	[tilespmem:s21+$0xFFFFFFC0] =	vst v2;
	v8 =	vld.idx.msk [tilespmem:v8+s5+$0x0], $0xffff  }
0xcf: {  	[tilespmem:s21+$0xFFFFFFD0] =	vst v3;
	v0 =	vld.idx.msk [tilespmem:v9+s5+$0x0], $0xffff  }
.Ltmp1:
0xd0: {  	[tilespmem:s21+$0xFFFFFFE0] =	vst v4;
	v1 =	vld.idx.msk [tilespmem:v10+s5+$0x0], $0xffff;
	(pc) =	sbr.rel @p0 .LBB2_6-.Ltmp1, $4  }
0xd1: {  	[tilespmem:s21+$0xFFFFFFF0] =	vst v5;
	v2 =	vld.idx.msk [tilespmem:v11+s5+$0x0], $0xffff  }
0xd2: {  	[tilespmem:s21+$0x0] =	vst v7;
	v3 =	vld.idx.msk [tilespmem:v12+s5+$0x0], $0xffff  }
0xd3: {  	[tilespmem:s21+$0xFFFFFF90] =	vst v14;
	v4 =	vld.idx.msk [tilespmem:v13+s5+$0x0], $0xffff  }
0xd4: {  	s25 =	sadd.s32 $0x100, s25;
	[tilespmem:s21+$0x90] =	vst v8;
	v5 =	vld.idx.msk [tilespmem:v6+s5+$0x0], $0xffff  }
0xd5: {  	[tilespmem:s21+$0xA0] =	vst v0  }
0xd6: {  	[tilespmem:s21+$0xB0] =	vst v1  }
0xd7: {  	s22 =	sshll.u32 s23, $0xE;
	[tilespmem:s21+$0xC0] =	vst v2  }
0xd8: {  	s22 =	sadd.s32 s17, s22;
	[tilespmem:s21+$0xD0] =	vst v3  }
0xd9: {  	s23 =	sshrl.u32 s22, $0x3;
	[tilespmem:s21+$0xE0] =	vst v4  }
0xda: {  	s21 =	sadd.s32 s3, s23;
	[tilespmem:s26+$0x1C700] =	vst v5  }
0xdb: {  	[hbm4b:s21+s5] =	stream.linear.scatter [tilespmem:s30], [sflag:$0x4], $0x80, $0x38;
	[tilespmem:$0x1D700] =	vst v63  }
0xdc: {  	s24 =	sadd.s32 $0x80, s21  }
0xdd: {  	[hbm4b:s24+s5] =	stream.linear.scatter [tilespmem:s31], [sflag:$0x4], $0x80, $0x38;
	[tilespmem:$0x1D700] =	vst v63  }
0xde: {  	s25 =	sadd.s32 $0x100, s21  }
0xdf: {  	[hbm4b:s25+s5] =	stream.linear.scatter [tilespmem:s0], [sflag:$0x4], $0x80, $0x38;
	[tilespmem:$0x1D700] =	vst v63  }
0xe0: {  	s26 =	sadd.s32 $0x180, s21  }
0xe1: {  	[hbm4b:s26+s5] =	stream.linear.scatter [tilespmem:s4], [sflag:$0x4], $0x80, $0x38;
	[tilespmem:$0x1D700] =	vst v63  }
0xe2: {  	s28 =	sadd.s32 $0x200, s21  }
0xe3: {  	[hbm4b:s28+s5] =	stream.linear.scatter [tilespmem:s7], [sflag:$0x4], $0x80, $0x38;
	[tilespmem:$0x1D700] =	vst v63  }
0xe4: {  	s23 =	sadd.s32 $0x280, s21  }
0xe5: {  	[hbm4b:s23+s5] =	stream.linear.scatter [tilespmem:s2], [sflag:$0x4], $0x80, $0x38;
	[tilespmem:$0x1D700] =	vst v63  }
0xe6: {  	s24 =	sadd.s32 $0x300, s21  }
0xe7: {  	[hbm4b:s24+s5] =	stream.linear.scatter [tilespmem:s10], [sflag:$0x4], $0x80, $0x38;
	[tilespmem:$0x1D700] =	vst v63  }
0xe8: {  	s25 =	sadd.s32 $0x380, s21  }
0xe9: {  	[hbm4b:s25+s5] =	stream.linear.scatter [tilespmem:s1], [sflag:$0x4], $0x80, $0x38;
	[tilespmem:$0x1D700] =	vst v63  }
0xea: {  	s26 =	sadd.s32 $0x400, s21  }
0xeb: {  	[hbm4b:s26+s5] =	stream.linear.scatter [tilespmem:s11], [sflag:$0x4], $0x80, $0x38;
	[tilespmem:$0x1D700] =	vst v63  }
0xec: {  	s28 =	sadd.s32 $0x480, s21  }
0xed: {  	[hbm4b:s28+s5] =	stream.linear.scatter [tilespmem:s8], [sflag:$0x4], $0x80, $0x38;
	[tilespmem:$0x1D700] =	vst v63  }
0xee: {  	s23 =	sadd.s32 $0x500, s21  }
0xef: {  	[hbm4b:s23+s5] =	stream.linear.scatter [tilespmem:s9], [sflag:$0x4], $0x80, $0x38;
	[tilespmem:$0x1D700] =	vst v63  }
0xf0: {  	s24 =	sadd.s32 $0x580, s21  }
0xf1: {  	[hbm4b:s24+s5] =	stream.linear.scatter [tilespmem:s6], [sflag:$0x4], $0x80, $0x38;
	[tilespmem:$0x1D700] =	vst v63  }
0xf2: {  	s18 =	sadd.s32 $0x1, s18;
	s25 =	sadd.s32 $0x600, s21  }
0xf3: {  	[hbm4b:s25+s5] =	stream.linear.scatter [tilespmem:s12], [sflag:$0x4], $0x80, $0x38;
	[tilespmem:$0x1D700] =	vst v63  }
0xf4: {  	p0 =	sne.s32 s18, $0x4;
	s26 =	sadd.s32 $0x680, s21  }
0xf5: {  	[hbm4b:s26+s5] =	stream.linear.scatter [tilespmem:s13], [sflag:$0x4], $0x80, $0x38;
	[tilespmem:$0x1D700] =	vst v63  }
.Ltmp2:
0xf6: {  	_ = 	snop;
	(pc) =	sbr.rel @p0 .LBB2_3-.Ltmp2, $4  }
0xf7: {  	s28 =	sadd.s32 $0x700, s21  }
0xf8: {  	[hbm4b:s28+s5] =	stream.linear.scatter [tilespmem:s14], [sflag:$0x4], $0x80, $0x38;
	[tilespmem:$0x1D700] =	vst v63  }
0xf9: {  	s19 =	sadd.s32 $0x1000, s19;
	s20 =	sadd.s32 $0x1000, s20;
	s21 =	sadd.s32 $0x780, s21  }
0xfa: {  	[hbm4b:s21+s5] =	stream.linear.scatter [tilespmem:s15], [sflag:$0x4], $0x80, $0x38;
	[tilespmem:$0x1D700] =	vst v63  }
0xfb: {  	s16 =	sadd.s32 $0x1, s16  }
0xfc: {  	p0 =	sne.s32 s16, $0x1A  }
.Ltmp3:
0xfd: {  	_ = 	snop;
	(pc) =	sbr.rel @p0 .LBB2_2-.Ltmp3, $1  }
0xfe: {  	_ =	sdelay $0x3  }
0xff: {  	s16 =	simm.s32 $0x3  }
0x100: {  	_ =	swait.ge [sflag:s16], $0x800  }
0x101: {  	[sflag:s16] =	ssyncset.done $0x0  }
0x102: {  	s17 =	simm.s32 $0x4;
	[sflag:s16] =	ssyncadd.s32 $0xFFFFF800  }
0x103: {  	_ =	swait.ge [sflag:s17], $0x800  }
0x104: {  	s18 =	rddreg [dreg:$0x6]  }
0x105: {  	s28 =	rddreg [dreg:$0x5];
	s18 =	sadd.s32 $0x1, s18  }
0x106: {  	p0 =	sne.s32 s18, s28  }
.Ltmp4:
0x107: {  	_ = 	snop;
	(pc) =	sbr.rel @p0 .LBB2_1-.Ltmp4, $3  }
0x108: {  	_ =	sdelay $0x1  }
0x109: {  	[sflag:s17] =	ssyncset.done $0x0  }
0x10a: {  	[sflag:s17] =	ssyncadd.s32 $0xFFFFF800  }
0x10b: {  	_ =	sfence.sel $0x180000  }
0x10c: {  	[bflag:$0x0] =	sbarrier.arrive $0xFFFF  }
0x10d: {  	_ =	strace $0x90000047  }
0x10e: {  	s0 =	stileid.u32;
	[bflag:$0x2] =	sbarrier.arrive $0xFFFF  }
0x10f: {  	p0 =	sne.s32 s0, $0x0;
	s0 =	rddreg [dreg:$0x3]  }
0x110: {  	s0 =	sadd.s32 @!p0 $0x100000, s0  }
0x111: {  	[sflag:s0] =	ssyncadd.tile.s32 @!p0 $0x1;
	_ =	shalt  }
.Lfunc_end2:
_tile_overlayer_lowered:
.L_overlay_start_2:
0x112: {  	(tag) =	ssettag $0x2  }
0x113: {  	s0 =	rddreg [dreg:$0x0];
	s2 =	stileid.u32  }
0x114: {  	s1 =	rddreg [dreg:$0x1];
	p0 =	sne.s32 s2, $0x0  }
0x115: {  	s3 =	rddreg [dreg:$0x2];
	[bflag:$0x3] =	sbarrier.arrive $0xFFFF;
	s2 =	simm.s32 @!p0 $0x1C05  }
0x116: {  	[timem:s3], [sflag:s2] =	dma.local @!p0 [hbm:s0], s1  }
0x117: {  	s0 =	simm.s32 @!p0 $0x5  }
0x118: {  	_ =	swait.ge @!p0 [sflag:s0], s1  }
0x119: {  	s1 =	ssub.s32 @!p0 $0x0, s1;
	[sflag:s0] =	ssyncset.done @!p0 $0x0  }
0x11a: {  	[sflag:s0] =	ssyncadd.s32 @!p0 s1  }
0x11b: {  	[bflag:$0x3] =	sbarrier.arrive $0xFFFF  }
0x11c: {  	_ =	shalt  }

</sc_bundles>
